<compile_context>
chip_gen: v7x
topology: tpu7x:2x2x1
jax: 0.10.2.dev20260603
libtpu: 0.0.44.dev20260713+nightly
codegen_flags: <defaults>
</compile_context>

<pallas_src>
import functools

import jax
import jax.numpy as jnp
from jax import lax
from jax.experimental import pallas as pl
from jax.experimental.pallas import tpu as pltpu
from jax.experimental.pallas import tpu_sc as plsc

_NUM_FRAMES = 2
_NUM_OVERLAP = 1


def _build_sc_kernel(n_total, n_overlap, n_feats, n_bbox, dtype):
    info = plsc.get_sparse_core_info()
    nc, ns = info.num_cores, info.num_subcores
    nw = nc * ns
    per_w = n_total // nw
    oper_w = n_overlap // (nw // 2)
    start = n_total - n_overlap

    mesh = plsc.VectorSubcoreMesh(core_axis_name="c", subcore_axis_name="s")
    out_type = (
        jax.ShapeDtypeStruct((n_total,), dtype),
        jax.ShapeDtypeStruct((n_overlap,), dtype),
        jax.ShapeDtypeStruct((n_overlap,), dtype),
        jax.ShapeDtypeStruct((n_feats,), dtype),
        jax.ShapeDtypeStruct((n_bbox,), dtype),
    )

    @functools.partial(
        pl.kernel, mesh=mesh, out_type=out_type,
        scratch_types=[
            pltpu.VMEM((per_w,), dtype),
            pltpu.VMEM((oper_w,), dtype),
            pltpu.VMEM((n_feats,), dtype),
            pltpu.VMEM((n_bbox,), dtype),
            pltpu.SemaphoreType.DMA,
            pltpu.SemaphoreType.DMA,
            pltpu.SemaphoreType.DMA,
            pltpu.SemaphoreType.DMA,
        ],
    )
    def k(pan, feats, bbox, stitched, overlap, buf, feats_o, bbox_o,
          buf_a, buf_b, buf_f, buf_x, sem_a, sem_b, sem_f, sem_x):
        wid = lax.axis_index("s") * nc + lax.axis_index("c")
        half = wid % (nw // 2)
        r0 = wid * per_w
        o0 = half * oper_w

        g_a = pltpu.async_copy(pan.at[pl.ds(r0, per_w)], buf_a, sem_a)
        g_b = pltpu.async_copy(pan.at[pl.ds(start + o0, oper_w)], buf_b, sem_b)
        g_a.wait()
        s_a = pltpu.async_copy(buf_a, stitched.at[pl.ds(r0, per_w)], sem_a)
        g_b.wait()

        @pl.when(wid < nw // 2)
        def _to_overlap():
            pltpu.async_copy(buf_b, overlap.at[pl.ds(o0, oper_w)], sem_b).wait()

        @pl.when(wid >= nw // 2)
        def _to_buffer():
            pltpu.async_copy(buf_b, buf.at[pl.ds(o0, oper_w)], sem_b).wait()

        @pl.when(wid == 0)
        def _copy_feats():
            pltpu.async_copy(feats, buf_f, sem_f).wait()
            pltpu.async_copy(buf_f, feats_o, sem_f).wait()

        @pl.when(wid == 1)
        def _copy_bbox():
            pltpu.async_copy(bbox, buf_x, sem_x).wait()
            pltpu.async_copy(buf_x, bbox_o, sem_x).wait()

        s_a.wait()

    return k


def kernel(panoptic_seg, aux_cluster_feats, aux_bbox_xyxy, seq_idx, height):
    h_total, width = panoptic_seg.shape
    h = h_total // _NUM_FRAMES
    overlap_rows = h * _NUM_OVERLAP

    n_total = h_total * width
    n_overlap = overlap_rows * width
    n_feats = aux_cluster_feats.size
    n_bbox = aux_bbox_xyxy.size

    k = _build_sc_kernel(n_total, n_overlap, n_feats, n_bbox,
                         panoptic_seg.dtype)
    stitched, overlap, buf, feats, bbox = k(
        panoptic_seg.reshape(-1),
        aux_cluster_feats.reshape(-1),
        aux_bbox_xyxy.reshape(-1),
    )
    return (
        stitched.reshape(h_total, width),
        overlap.reshape(overlap_rows, width),
        buf.reshape(overlap_rows, width),
        feats.reshape(aux_cluster_feats.shape),
        bbox.reshape(aux_bbox_xyxy.shape),
    )

# --- scband reference (transcript-rebuilt; emitter-appended) ---
"""Pipeline reference for scband-video-stitching-3925600108959 (READ-ONLY COPY).

The authoritative reference and input builder live on the scoring server;
editing this copy changes nothing except your own understanding.
"""

import jax, jax.numpy as jnp
import numpy as np

NUM_FRAMES = 2
NUM_OVERLAP = 1  # num_frames > 1 -> _num_stitching_overlap_frames = 1
LABEL_DIVISOR = 10000


def setup_inputs(seed: int = 0) -> dict:
    key = jax.random.key(seed)
    k1, k2, k3 = jax.random.split(key, 3)
    height, width = 512, 512
    # panoptic ID map stored as float32 so the fwdbwd variant can differentiate the pass-through
    panoptic_seg = jax.random.randint(k1, (NUM_FRAMES * height, width), 0, LABEL_DIVISOR).astype(jnp.float32)
    # aux_ids_feat dict decomposed into dense arrays: per-instance appearance feature and bbox
    aux_cluster_feats = jax.random.normal(k2, (32, 256), dtype=jnp.float32)
    aux_bbox_xyxy = jax.random.uniform(k3, (32, 4), dtype=jnp.float32) * 512.0
    return {
        "panoptic_seg": panoptic_seg,
        "aux_cluster_feats": aux_cluster_feats,
        "aux_bbox_xyxy": aux_bbox_xyxy,
        "seq_idx": 0,
        "height": height,
    }


def reference(panoptic_seg, aux_cluster_feats, aux_bbox_xyxy, seq_idx, height):
    # Faithful translation of VideoStitching.forward on the runnable path (seq_idx == 0).
    # _get_and_update_stitched_video_predictions:
    num_frames_height, width = panoptic_seg.shape
    h = num_frames_height // NUM_FRAMES
    # _get_previous_clip_prediction_overlap -> _store_first_frame_prediction (seq_idx == 0)
    prev_panoptic_overlap = panoptic_seg[h * (NUM_FRAMES - NUM_OVERLAP):]
    prev_panoptic_overlap = prev_panoptic_overlap.reshape(h * NUM_OVERLAP, width)
    # seq_idx == 0: _clean_storage_every_seq(panoptic_seg); stitched = panoptic_seg unchanged,
    # non_match_dict = None, matched_cur_to_prev = None
    stitched_panoptic = panoptic_seg
    # save_stitched_panoptic_to_buffer: slice last overlap frame (stateful buffer write;
    # represented here as a pure slice output)
    buffer_slice = stitched_panoptic[h * (NUM_FRAMES - NUM_OVERLAP):]
    # forward returns (stitched_panoptic, non_match_dict, matched_cur_to_prev, aux_ids_feat);
    # the None entries are dropped, aux dict is returned as its dense components
    return (stitched_panoptic, prev_panoptic_overlap, buffer_slice, aux_cluster_feats, aux_bbox_xyxy)

if __name__ == "__main__":
    import jax
    _d = setup_inputs()
    print(jax.jit(kernel)(*tuple(_d.values())))

</pallas_src>

<mosaic_0001>
#map = affine_map<(d0, d1) -> (0)>
module attributes {stable_mosaic.version = 14 : i64} {
  func.func @k(%arg0: i32, %arg1: i32, %arg2: memref<524288xf32, #tpu.memory_space<hbm>>, %arg3: memref<8192xf32, #tpu.memory_space<hbm>>, %arg4: memref<128xf32, #tpu.memory_space<hbm>>, %arg5: memref<524288xf32, #tpu.memory_space<hbm>>, %arg6: memref<262144xf32, #tpu.memory_space<hbm>>, %arg7: memref<262144xf32, #tpu.memory_space<hbm>>, %arg8: memref<8192xf32, #tpu.memory_space<hbm>>, %arg9: memref<128xf32, #tpu.memory_space<hbm>>, %arg10: memref<16384xf32, #tpu.memory_space<vmem>>, %arg11: memref<16384xf32, #tpu.memory_space<vmem>>, %arg12: memref<8192xf32, #tpu.memory_space<vmem>>, %arg13: memref<128xf32, #tpu.memory_space<vmem>>, %arg14: memref<!tpu.dma_semaphore, #tpu.memory_space<semaphore_mem>>, %arg15: memref<!tpu.dma_semaphore, #tpu.memory_space<semaphore_mem>>, %arg16: memref<!tpu.dma_semaphore, #tpu.memory_space<semaphore_mem>>, %arg17: memref<!tpu.dma_semaphore, #tpu.memory_space<semaphore_mem>>) attributes {dimension_semantics = [#tpu.dimension_semantics<core_parallel>, #tpu.dimension_semantics<subcore_parallel>], iteration_bounds = array<i64: 2, 16>, scalar_prefetch = 0 : i64, scratch_operands = 8 : i64, tpu.core_type = #tpu.core_type<sc_vector_subcore>, window_params = [{transform_indices = #map}, {transform_indices = #map}, {transform_indices = #map}, {transform_indices = #map}, {transform_indices = #map}, {transform_indices = #map}, {transform_indices = #map}, {transform_indices = #map}]} {
    %mul3A = arith.constant 2 : i32
    %mul3A_0 = arith.muli %arg1, %mul3A : i32
    %add3A = arith.addi %mul3A_0, %arg0 : i32
    %jit3A = arith.constant 16 : i32
    %eq3A = arith.constant 0 : i32
    %eq3A_1 = arith.cmpi eq, %jit3A, %eq3A : i32
    %jit3A_2 = arith.constant 1 : i32
    %select_n3A = arith.select %eq3A_1, %jit3A_2, %jit3A : i32
    %rem3A = arith.remsi %add3A, %select_n3A : i32
    %ne3A = arith.constant 0 : i32
    %ne3A_3 = arith.cmpi ne, %rem3A, %ne3A : i32
    %lt3A = arith.constant 0 : i32
    %lt3A_4 = arith.cmpi slt, %rem3A, %lt3A : i32
    %lt3A_5 = arith.constant 0 : i32
    %lt3A_6 = arith.cmpi slt, %select_n3A, %lt3A_5 : i32
    %ne3A_7 = arith.xori %lt3A_4, %lt3A_6 : i1
    %and3A = arith.andi %ne3A_7, %ne3A_3 : i1
    %add3A_8 = arith.addi %rem3A, %select_n3A : i32
    %select_n3A_9 = arith.select %and3A, %add3A_8, %rem3A : i32
    %mul3A_10 = arith.constant 16384 : i32
    %mul3A_11 = arith.muli %add3A, %mul3A_10 : i32
    %mul3A_12 = arith.constant 16384 : i32
    %mul3A_13 = arith.muli %select_n3A_9, %mul3A_12 : i32
    %dma_start3A = tpu.memref_slice %arg2[%mul3A_11] : memref<524288xf32, #tpu.memory_space<hbm>> -> memref<16384xf32, #tpu.memory_space<hbm>>
    %dma_start3A_14 = tpu.memref_slice %arg2[%mul3A_11] : memref<524288xf32, #tpu.memory_space<hbm>> -> memref<16384xf32, #tpu.memory_space<hbm>>
    tpu.enqueue_dma source(%dma_start3A_14 : memref<16384xf32, #tpu.memory_space<hbm>>) target(%arg10 : memref<16384xf32, #tpu.memory_space<vmem>>) target_semaphore(%arg14 : memref<!tpu.dma_semaphore, #tpu.memory_space<semaphore_mem>>)
    %add3A_15 = arith.constant 262144 : i32
    %add3A_16 = arith.addi %add3A_15, %mul3A_13 : i32
    %dma_start3A_17 = tpu.memref_slice %arg2[%add3A_16] : memref<524288xf32, #tpu.memory_space<hbm>> -> memref<16384xf32, #tpu.memory_space<hbm>>
    %dma_start3A_18 = tpu.memref_slice %arg2[%add3A_16] : memref<524288xf32, #tpu.memory_space<hbm>> -> memref<16384xf32, #tpu.memory_space<hbm>>
    tpu.enqueue_dma source(%dma_start3A_18 : memref<16384xf32, #tpu.memory_space<hbm>>) target(%arg11 : memref<16384xf32, #tpu.memory_space<vmem>>) target_semaphore(%arg15 : memref<!tpu.dma_semaphore, #tpu.memory_space<semaphore_mem>>)
    %dma_wait3A = tpu.memref_slice %arg2[%mul3A_11] : memref<524288xf32, #tpu.memory_space<hbm>> -> memref<16384xf32, #tpu.memory_space<hbm>>
    %dma_wait3A_19 = tpu.memref_slice %arg2[%mul3A_11] : memref<524288xf32, #tpu.memory_space<hbm>> -> memref<16384xf32, #tpu.memory_space<hbm>>
    tpu.wait_dma2 semaphore(%arg14 : memref<!tpu.dma_semaphore, #tpu.memory_space<semaphore_mem>>) src(%dma_wait3A_19 : memref<16384xf32, #tpu.memory_space<hbm>>) dst(%arg10 : memref<16384xf32, #tpu.memory_space<vmem>>)
    %dma_start3A_20 = tpu.memref_slice %arg5[%mul3A_11] : memref<524288xf32, #tpu.memory_space<hbm>> -> memref<16384xf32, #tpu.memory_space<hbm>>
    %dma_start3A_21 = tpu.memref_slice %arg5[%mul3A_11] : memref<524288xf32, #tpu.memory_space<hbm>> -> memref<16384xf32, #tpu.memory_space<hbm>>
    tpu.enqueue_dma source(%arg10 : memref<16384xf32, #tpu.memory_space<vmem>>) target(%dma_start3A_21 : memref<16384xf32, #tpu.memory_space<hbm>>) target_semaphore(%arg14 : memref<!tpu.dma_semaphore, #tpu.memory_space<semaphore_mem>>)
    %dma_wait3A_22 = tpu.memref_slice %arg2[%add3A_16] : memref<524288xf32, #tpu.memory_space<hbm>> -> memref<16384xf32, #tpu.memory_space<hbm>>
    %dma_wait3A_23 = tpu.memref_slice %arg2[%add3A_16] : memref<524288xf32, #tpu.memory_space<hbm>> -> memref<16384xf32, #tpu.memory_space<hbm>>
    tpu.wait_dma2 semaphore(%arg15 : memref<!tpu.dma_semaphore, #tpu.memory_space<semaphore_mem>>) src(%dma_wait3A_23 : memref<16384xf32, #tpu.memory_space<hbm>>) dst(%arg11 : memref<16384xf32, #tpu.memory_space<vmem>>)
    %lt3A_24 = arith.constant 16 : i32
    %lt3A_25 = arith.cmpi slt, %add3A, %lt3A_24 : i32
    %convert_element_type3A = arith.extui %lt3A_25 : i1 to i32
    %cond3A = arith.constant 0 : i32
    %cond3A_26 = arith.cmpi ne, %convert_element_type3A, %cond3A : i32
    scf.if %cond3A_26 {
      %dma_start3A_43 = tpu.memref_slice %arg6[%mul3A_13] : memref<262144xf32, #tpu.memory_space<hbm>> -> memref<16384xf32, #tpu.memory_space<hbm>>
      %dma_start3A_44 = tpu.memref_slice %arg6[%mul3A_13] : memref<262144xf32, #tpu.memory_space<hbm>> -> memref<16384xf32, #tpu.memory_space<hbm>>
      tpu.enqueue_dma source(%arg11 : memref<16384xf32, #tpu.memory_space<vmem>>) target(%dma_start3A_44 : memref<16384xf32, #tpu.memory_space<hbm>>) target_semaphore(%arg15 : memref<!tpu.dma_semaphore, #tpu.memory_space<semaphore_mem>>)
      %dma_wait3A_45 = tpu.memref_slice %arg6[%mul3A_13] : memref<262144xf32, #tpu.memory_space<hbm>> -> memref<16384xf32, #tpu.memory_space<hbm>>
      %dma_wait3A_46 = tpu.memref_slice %arg6[%mul3A_13] : memref<262144xf32, #tpu.memory_space<hbm>> -> memref<16384xf32, #tpu.memory_space<hbm>>
      tpu.wait_dma2 semaphore(%arg15 : memref<!tpu.dma_semaphore, #tpu.memory_space<semaphore_mem>>) src(%arg11 : memref<16384xf32, #tpu.memory_space<vmem>>) dst(%dma_wait3A_46 : memref<16384xf32, #tpu.memory_space<hbm>>)
    } else {
    }
    %ge3A = arith.constant 16 : i32
    %ge3A_27 = arith.cmpi sge, %add3A, %ge3A : i32
    %convert_element_type3A_28 = arith.extui %ge3A_27 : i1 to i32
    %cond3A_29 = arith.constant 0 : i32
    %cond3A_30 = arith.cmpi ne, %convert_element_type3A_28, %cond3A_29 : i32
    scf.if %cond3A_30 {
      %dma_start3A_43 = tpu.memref_slice %arg7[%mul3A_13] : memref<262144xf32, #tpu.memory_space<hbm>> -> memref<16384xf32, #tpu.memory_space<hbm>>
      %dma_start3A_44 = tpu.memref_slice %arg7[%mul3A_13] : memref<262144xf32, #tpu.memory_space<hbm>> -> memref<16384xf32, #tpu.memory_space<hbm>>
      tpu.enqueue_dma source(%arg11 : memref<16384xf32, #tpu.memory_space<vmem>>) target(%dma_start3A_44 : memref<16384xf32, #tpu.memory_space<hbm>>) target_semaphore(%arg15 : memref<!tpu.dma_semaphore, #tpu.memory_space<semaphore_mem>>)
      %dma_wait3A_45 = tpu.memref_slice %arg7[%mul3A_13] : memref<262144xf32, #tpu.memory_space<hbm>> -> memref<16384xf32, #tpu.memory_space<hbm>>
      %dma_wait3A_46 = tpu.memref_slice %arg7[%mul3A_13] : memref<262144xf32, #tpu.memory_space<hbm>> -> memref<16384xf32, #tpu.memory_space<hbm>>
      tpu.wait_dma2 semaphore(%arg15 : memref<!tpu.dma_semaphore, #tpu.memory_space<semaphore_mem>>) src(%arg11 : memref<16384xf32, #tpu.memory_space<vmem>>) dst(%dma_wait3A_46 : memref<16384xf32, #tpu.memory_space<hbm>>)
    } else {
    }
    %eq3A_31 = arith.constant 0 : i32
    %eq3A_32 = arith.cmpi eq, %add3A, %eq3A_31 : i32
    %convert_element_type3A_33 = arith.extui %eq3A_32 : i1 to i32
    %cond3A_34 = arith.constant 0 : i32
    %cond3A_35 = arith.cmpi ne, %convert_element_type3A_33, %cond3A_34 : i32
    scf.if %cond3A_35 {
      tpu.enqueue_dma source(%arg3 : memref<8192xf32, #tpu.memory_space<hbm>>) target(%arg12 : memref<8192xf32, #tpu.memory_space<vmem>>) target_semaphore(%arg16 : memref<!tpu.dma_semaphore, #tpu.memory_space<semaphore_mem>>)
      tpu.wait_dma2 semaphore(%arg16 : memref<!tpu.dma_semaphore, #tpu.memory_space<semaphore_mem>>) src(%arg3 : memref<8192xf32, #tpu.memory_space<hbm>>) dst(%arg12 : memref<8192xf32, #tpu.memory_space<vmem>>)
      tpu.enqueue_dma source(%arg12 : memref<8192xf32, #tpu.memory_space<vmem>>) target(%arg8 : memref<8192xf32, #tpu.memory_space<hbm>>) target_semaphore(%arg16 : memref<!tpu.dma_semaphore, #tpu.memory_space<semaphore_mem>>)
      tpu.wait_dma2 semaphore(%arg16 : memref<!tpu.dma_semaphore, #tpu.memory_space<semaphore_mem>>) src(%arg12 : memref<8192xf32, #tpu.memory_space<vmem>>) dst(%arg8 : memref<8192xf32, #tpu.memory_space<hbm>>)
    } else {
    }
    %eq3A_36 = arith.constant 1 : i32
    %eq3A_37 = arith.cmpi eq, %add3A, %eq3A_36 : i32
    %convert_element_type3A_38 = arith.extui %eq3A_37 : i1 to i32
    %cond3A_39 = arith.constant 0 : i32
    %cond3A_40 = arith.cmpi ne, %convert_element_type3A_38, %cond3A_39 : i32
    scf.if %cond3A_40 {
      tpu.enqueue_dma source(%arg4 : memref<128xf32, #tpu.memory_space<hbm>>) target(%arg13 : memref<128xf32, #tpu.memory_space<vmem>>) target_semaphore(%arg17 : memref<!tpu.dma_semaphore, #tpu.memory_space<semaphore_mem>>)
      tpu.wait_dma2 semaphore(%arg17 : memref<!tpu.dma_semaphore, #tpu.memory_space<semaphore_mem>>) src(%arg4 : memref<128xf32, #tpu.memory_space<hbm>>) dst(%arg13 : memref<128xf32, #tpu.memory_space<vmem>>)
      tpu.enqueue_dma source(%arg13 : memref<128xf32, #tpu.memory_space<vmem>>) target(%arg9 : memref<128xf32, #tpu.memory_space<hbm>>) target_semaphore(%arg17 : memref<!tpu.dma_semaphore, #tpu.memory_space<semaphore_mem>>)
      tpu.wait_dma2 semaphore(%arg17 : memref<!tpu.dma_semaphore, #tpu.memory_space<semaphore_mem>>) src(%arg13 : memref<128xf32, #tpu.memory_space<vmem>>) dst(%arg9 : memref<128xf32, #tpu.memory_space<hbm>>)
    } else {
    }
    %dma_wait3A_41 = tpu.memref_slice %arg5[%mul3A_11] : memref<524288xf32, #tpu.memory_space<hbm>> -> memref<16384xf32, #tpu.memory_space<hbm>>
    %dma_wait3A_42 = tpu.memref_slice %arg5[%mul3A_11] : memref<524288xf32, #tpu.memory_space<hbm>> -> memref<16384xf32, #tpu.memory_space<hbm>>
    tpu.wait_dma2 semaphore(%arg14 : memref<!tpu.dma_semaphore, #tpu.memory_space<semaphore_mem>>) src(%arg10 : memref<16384xf32, #tpu.memory_space<vmem>>) dst(%dma_wait3A_42 : memref<16384xf32, #tpu.memory_space<hbm>>)
    return
  }
}

</mosaic_0001>

<sc_bundles>
// kernel: kernel.3.cloned.1.call-start
scs
__scs_entry_jumppad:
0x0: {  	(pc) =	sbr.rel $0x88, $3  }
0x1: {  	(tag) =	ssettag $0x0;
	lr =	simm.s32 $0x1  }
0x2: {  	[smem:$0x3F9E] =	sst lr;
	_ =	strace $0xD0000000  }
0x3: {  	_ = 	snop  }
0x4: {  	_ = 	snop  }
0x5: {  	_ = 	snop  }
0x6: {  	_ = 	snop  }
0x7: {  	_ = 	snop  }
__scs_overlays_trampoline_lowered:
0x8: {  	[smem:$0x3FAD] =	sst s0  }
0x9: {  	[smem:$0x3FAE] =	sst s1  }
0xa: {  	[smem:$0x3FAF] =	sst s2  }
0xb: {  	[smem:$0x3FB0] =	sst s3  }
0xc: {  	[smem:$0x3FB1] =	sst s4  }
0xd: {  	[smem:$0x3FB2] =	sst s5  }
0xe: {  	[smem:$0x3FB3] =	sst s6  }
0xf: {  	[smem:$0x3FB4] =	sst s7  }
0x10: {  	[smem:$0x3FB5] =	sst s8  }
0x11: {  	[smem:$0x3FB6] =	sst s9;
	s0 =	simm.s32 @!p0 $0x0  }
0x12: {  	s1 =	sld [smem:$0x3F9C];
	s0 =	simm.s32 @p0 $0x1  }
0x13: {  	[smem:$0x3FB7] =	sst s0;
	s0 =	simm.s32 @!p1 $0x0  }
0x14: {  	s2 =	sld [smem:$0x3F9B];
	s0 =	simm.s32 @p1 $0x1  }
0x15: {  	[smem:$0x3FB8] =	sst s0;
	s0 =	simm.s32 @!p2 $0x0  }
0x16: {  	s3 =	sld [smem:$0x3FDB];
	s0 =	simm.s32 @p2 $0x1  }
0x17: {  	s4 =	simm.s32 $0x1BF5;
	[smem:$0x3FBA] =	sst s0  }
0x18: {  	s0 =	sld [smem:$0x3F9D];
	_ =	swait.ge [sflag:s4], $0x0  }
0x19: {  	s7 =	sld [smem:$0x3F9E]  }
0x1a: {  	s8 =	sadd.s32 $0xFFFFE003, lr  }
0x1b: {  	s9 =	sadd.s32 $0xFFFFFEF7, lr;
	s5 =	simm.s32 $0xFFFFFFFF;
	p2 =	slt.u32 s8, $0xFFFFF086  }
0x1c: {  	p1 =	slt.u32 s9, $0xF7A;
	s5 =	simm.s32 @!p2 $0x0  }
0x1d: {  	s5 =	simm.s32 @p1 $0x1;
	p0 =	seq.s32 s7, s2  }
0x1e: {  	s7 =	smul.u32 @!p0 $0xF7A, s2;
	p2 =	seq.s32 @!p0 s5, $0x0  }
0x1f: {  	s9 =	smul.u32 $0xF7A, s1;
	s8 =	simm.s32 @!p0 $0x1BF5;
	p2 =	por !p2, p0  }
0x20: {  	[sflag:s8] =	ssyncset.s32 @!p0 $0xFFFFF086;
	s6 =	sadd.s32 @!p0 s3, s7;
	s7 =	simm.s32 @!p0 $0x108  }
0x21: {  	s3 =	sadd.s32 s3, s9;
	s6 =	sadd.s32 @!p0 $0x88, s6;
	s7 =	simm.s32 @p2 $0x1082  }
0x22: {  	[simem:s7], [sflag:s8] =	dma.local @!p0 [hbm:s6], $0xF7A  }
0x23: {  	s9 =	sor.u32 $0xD0000000, s2;
	s6 =	simm.s32 $0x108;
	_ =	swait.ge @!p0 [sflag:s8], $0x0  }
0x24: {  	s3 =	sadd.s32 $0x88, s3;
	s6 =	simm.s32 @!p1 $0x1082;
	[sflag:s4] =	ssyncset.s32 $0xFFFFF086  }
0x25: {  	[simem:s6], [sflag:s4] =	dma.local [hbm:s3], $0xF7A  }
0x26: {  	[smem:$0x3F9E] =	sst s1;
	(tag) =	ssettag s2;
	_ =	strace s9  }
0x27: {  	s1 =	sld [smem:$0x3FAE]  }
0x28: {  	s2 =	sld [smem:$0x3FAF]  }
0x29: {  	s4 =	sld [smem:$0x3FB1]  }
0x2a: {  	p0 =	seq.s32 s5, $0x0;
	s5 =	sld [smem:$0x3FB2]  }
0x2b: {  	s6 =	sld [smem:$0x3FB3]  }
0x2c: {  	s7 =	sld [smem:$0x3FB4]  }
0x2d: {  	s3 =	simm.s32 $0x108;
	s8 =	sld [smem:$0x3FB5]  }
0x2e: {  	s3 =	simm.s32 @!p0 $0x1082;
	s9 =	sld [smem:$0x3FB6]  }
0x2f: {  	lr =	sadd.s32 s0, s3;
	s0 =	sld [smem:$0x3FAD]  }
0x30: {  	s3 =	sld [smem:$0x3FB0]  }
0x31: {  	[smem:$0x3FB9] =	sst s10  }
0x32: {  	s10 =	sld [smem:$0x3FB7];
	_ =	sdelay $0x3  }
0x33: {  	p0 =	seq.s32 s10, $0x1;
	s10 =	sld [smem:$0x3FB9];
	_ =	sdelay $0x3  }
0x34: {  	[smem:$0x3FB9] =	sst s10  }
0x35: {  	s10 =	sld [smem:$0x3FB8];
	_ =	sdelay $0x3  }
0x36: {  	p1 =	seq.s32 s10, $0x1;
	s10 =	sld [smem:$0x3FB9];
	_ =	sdelay $0x3  }
0x37: {  	[smem:$0x3FB9] =	sst s10  }
0x38: {  	s10 =	sld [smem:$0x3FBA]  }
0x39: {  	_ = 	snop;
	(pc) =	sbr.ind lr, $3  }
0x3a: {  	_ = 	snop  }
0x3b: {  	_ = 	snop  }
0x3c: {  	p2 =	seq.s32 s10, $0x1;
	s10 =	sld [smem:$0x3FB9]  }
0x3d: {  	_ =	shalt  }
0x3e: {  	_ =	shalt  }
0x3f: {  	_ =	shalt  }
0x40: {  	_ =	shalt  }
0x41: {  	_ =	shalt  }
0x42: {  	_ =	shalt  }
0x43: {  	_ =	shalt  }
0x44: {  	_ =	shalt  }
0x45: {  	_ =	shalt  }
0x46: {  	_ =	shalt  }
0x47: {  	_ =	shalt  }
0x48: {  	_ =	shalt  }
0x49: {  	_ =	shalt  }
0x4a: {  	_ =	shalt  }
0x4b: {  	_ =	shalt  }
0x4c: {  	_ =	shalt  }
0x4d: {  	_ =	shalt  }
0x4e: {  	_ =	shalt  }
0x4f: {  	_ =	shalt  }
0x50: {  	_ =	shalt  }
0x51: {  	_ =	shalt  }
0x52: {  	_ =	shalt  }
0x53: {  	_ =	shalt  }
0x54: {  	_ =	shalt  }
0x55: {  	_ =	shalt  }
0x56: {  	_ =	shalt  }
0x57: {  	_ =	shalt  }
0x58: {  	_ =	shalt  }
0x59: {  	_ =	shalt  }
0x5a: {  	_ =	shalt  }
0x5b: {  	_ =	shalt  }
0x5c: {  	_ =	shalt  }
0x5d: {  	_ =	shalt  }
0x5e: {  	_ =	shalt  }
0x5f: {  	_ =	shalt  }
0x60: {  	_ =	shalt  }
0x61: {  	_ =	shalt  }
0x62: {  	_ =	shalt  }
0x63: {  	_ =	shalt  }
0x64: {  	_ =	shalt  }
0x65: {  	_ =	shalt  }
0x66: {  	_ =	shalt  }
0x67: {  	_ =	shalt  }
0x68: {  	_ =	shalt  }
0x69: {  	_ =	shalt  }
0x6a: {  	_ =	shalt  }
0x6b: {  	_ =	shalt  }
0x6c: {  	_ =	shalt  }
0x6d: {  	_ =	shalt  }
0x6e: {  	_ =	shalt  }
0x6f: {  	_ =	shalt  }
0x70: {  	_ =	shalt  }
0x71: {  	_ =	shalt  }
0x72: {  	_ =	shalt  }
0x73: {  	_ =	shalt  }
0x74: {  	_ =	shalt  }
0x75: {  	_ =	shalt  }
0x76: {  	_ =	shalt  }
0x77: {  	_ =	shalt  }
0x78: {  	_ =	shalt  }
0x79: {  	_ =	shalt  }
0x7a: {  	_ =	shalt  }
0x7b: {  	_ =	shalt  }
0x7c: {  	_ =	shalt  }
0x7d: {  	_ =	shalt  }
0x7e: {  	_ =	shalt  }
0x7f: {  	_ =	shalt  }
0x80: {  	_ =	shalt  }
0x81: {  	_ =	shalt  }
0x82: {  	_ =	shalt  }
0x83: {  	_ =	shalt  }
0x84: {  	_ =	shalt  }
0x85: {  	_ =	shalt  }
0x86: {  	_ =	shalt  }
0x87: {  	_ =	shalt  }
.Lfunc_end0:
.L_simem_size_0:
called_computation_lowered:
.L_overlay_start_0:
0x88: {  	s2 =	sld [smem:$0x3FD9]  }
0x89: {  	s3 =	sld [smem:$0x3FFE];
	_ =	sdelay $0x1  }
0x8a: {  	s1 =	srdreg.scid  }
0x8b: {  	s0 =	sand.u32 $0x1, s1  }
0x8c: {  	s14 =	sshll.u32 s0, $0xA;
	s2 =	sadd.s32 s3, s2  }
0x8d: {  	s2 =	sadd.s32 s2, s14  }
0x8e: {  	[smem:$0x3FC5] =	sst s2  }
0x8f: {  	_ = 	snop  }
0x90: {  	s2 =	sld [smem:$0x3FD0];
	_ =	sdelay $0x2  }
0x91: {  	s15 =	simm.s32 $0xA;
	s4 =	simm.s32 $0x10  }
0x92: {  	[smem:s4], [sflag:s15] =	dma.local [hbm:s2], $0x1  }
0x93: {  	_ =	swait.eq [sflag:s15], $0x1  }
0x94: {  	s16 =	sld [smem:$0x10]  }
0x95: {  	s17 =	sld [smem:$0x11]  }
0x96: {  	s5 =	sld [smem:$0x12];
	[sflag:s15] =	ssyncset.done $0x0  }
0x97: {  	s6 =	sld [smem:$0x13];
	[sflag:s15] =	ssyncadd.s32 $0xFFFFFFFF  }
0x98: {  	s18 =	sld [smem:$0x14];
	(tm) =	ssettm $0x1  }
0x99: {  	s7 =	sld [smem:$0x3FFB];
	_ =	sdelay $0x3  }
0x9a: {  	_ =	strace s7  }
0x9b: {  	s7 =	sld [smem:$0x3FFC];
	_ =	sdelay $0x3  }
0x9c: {  	_ =	strace s7  }
0x9d: {  	s7 =	sld [smem:$0x3FFD];
	_ =	sdelay $0x3  }
0x9e: {  	_ =	strace s7  }
0x9f: {  	_ =	strace $0x8FFFFFFF  }
0xa0: {  	s19 =	sld [smem:$0x3FDB];
	_ =	sdelay $0x1  }
0xa1: {  	s8 =	simm.s32 $_scs_section_size  }
0xa2: {  	s9 =	simm.s32 $_size__tile_overlayer_lowered;
	s10 =	simm.s32 $_tile_overlayer_lowered  }
0xa3: {  	s22 =	simm.s32 $0x1BFF;
	s21 =	sshll.u32 s10, $0x1;
	s7 =	sadd.s32 s8, s19  }
0xa4: {  	s11 =	simm.s32 $0x0;
	s20 =	sshll.u32 s9, $0x1;
	s9 =	sadd.s32 s21, s7  }
0xa5: {  	[timem:s11], [sflag:s22] =	dma.local [hbm:s9], s20  }
0xa6: {  	_ =	swait.ge [sflag:s22], s20  }
0xa7: {  	s8 =	ssub.s32 $0x0, s20;
	[sflag:s22] =	ssyncset.done $0x0  }
0xa8: {  	[sflag:s22] =	ssyncadd.s32 s8;
	_ =	sdelay $0x1  }
0xa9: {  	s23 =	simm.s32 $0x1B8B  }
0xaa: {  	_ =	swait.ge [sflag:s23], $0x1  }
0xab: {  	[sflag:s23] =	ssyncset.done $0x0  }
0xac: {  	s25 =	simm.s32 $0x1B8E;
	s24 =	sld [smem:$0x3FFE];
	[sflag:s23] =	ssyncadd.s32 $0xFFFFFFFF  }
0xad: {  	s26 =	simm.s32 $execute0_lowered;
	[smem:$0x3FD2] =	sst s25  }
0xae: {  	s9 =	sshll.u32 s26, $0x1;
	_ =	strace $0x80000046;
	[dreg:$0x1] =	wrdreg $0xFFFFFFFF  }
0xaf: {  	s28 =	simm.s32 $_size_execute0_lowered;
	s7 =	sadd.s32 s7, s9;
	[dreg:$0x0] =	wrdreg $0x0  }
0xb0: {  	s9 =	sshll.u32 s28, $0x1;
	[dreg:$0x2] =	wrdreg s7  }
0xb1: {  	[dreg:$0x3] =	wrdreg s9  }
0xb2: {  	[dreg:$0x4] =	wrdreg $0xC0  }
0xb3: {  	_ =	task [dreg:s11], $0x5FFFF  }
0xb4: {  	[dreg:$0x1] =	wrdreg $0xFFFFFFFF  }
0xb5: {  	[dreg:$0x0] =	wrdreg $0x60  }
0xb6: {  	[dreg:$0x2] =	wrdreg s16  }
0xb7: {  	[dreg:$0x3] =	wrdreg s6  }
0xb8: {  	[dreg:$0x4] =	wrdreg s18  }
0xb9: {  	[dreg:$0x5] =	wrdreg s24  }
0xba: {  	[dreg:$0x6] =	wrdreg s5  }
0xbb: {  	[dreg:$0x7] =	wrdreg s17  }
0xbc: {  	[dreg:$0x8] =	wrdreg $0x9  }
0xbd: {  	_ =	task.clear_ibuf [dreg:s11], $0x9FFFF;
	_ =	strace $0x90000046  }
0xbe: {  	s29 =	simm.s32 $0x9;
	_ =	strace $0x80000048  }
0xbf: {  	_ =	swait.ge [sflag:s29], $0x1  }
0xc0: {  	[sflag:s29] =	ssyncadd.s32 $0xFFFFFFFF  }
0xc1: {  	_ =	strace $0x90000048  }
0xc2: {  	_ =	sfence  }
0xc3: {  	s30 =	sld [smem:$0x0];
	_ =	sdelay $0x2  }
0xc4: {  	s31 =	sshll.u32 s1, $0xD;
	s1 =	sshrl.u32 s1, $0x2  }
0xc5: {  	s3 =	sand.u32 $0x4000, s31;
	s1 =	sadd.s32 s1, s30  }
0xc6: {  	s0 =	sor.u32 s3, s0;
	s1 =	sshll.u32 s1, $0x11  }
0xc7: {  	s0 =	sor.u32 s1, s0  }
0xc8: {  	s0 =	sadd.s32 $0x8F2B, s0  }
0xc9: {  	[sflag:s0] =	ssyncadd.remote.s32 $0x1  }
0xca: {  	_ =	sfence.sel $0xFFFF  }
0xcb: {  	[dreg:$0x0] =	wrdreg $0xFFFFFFFF;
	(pc) =	sbr.abs _section_cstart, $3  }
0xcc: {  	[dreg:$0x1] =	wrdreg $0xFFFFFFFF  }
0xcd: {  	_ =	task.clear_ibuf [dreg:s11], $0x2FFFF;
	_ =	strace $0x9FFFFFFF  }
0xce: {  	(tm) =	ssettm $0x7FFFFFFF  }
0xcf: {  	_ =	shalt  }
tec
execute0_lowered:
.L_overlay_start_1:
0x0: {  	(tag) =	ssettag $0x1  }
0x1: {  	s7 =	rddreg [dreg:$0x0]  }
0x2: {  	s1 =	rddreg [dreg:$0x1]  }
0x3: {  	s2 =	rddreg [dreg:$0x2]  }
0x4: {  	s16 =	rddreg [dreg:$0x3]  }
0x5: {  	s12 =	rddreg [dreg:$0x4]  }
0x6: {  	s3 =	srdreg.scid;
	s0 =	stileid.u32  }
0x7: {  	s4 =	rddreg [dreg:$0x5];
	s20 =	sand.u32 $0x1, s3;
	s6 =	sshll.u32 s0, $0x1  }
0x8: {  	s5 =	simm.s32 $0x0;
	s3 =	rddreg [dreg:$0x6];
	s17 =	sor.u32 s20, s6  }
0x9: {  	[smem:$0x7FF] =	sst s5;
	s13 =	sshll.u32 s17, $0xB  }
0xa: {  	_ =	strace $0x80000047;
	s6 =	sadd.s32 s7, s13;
	s8 =	sor.u32 $0x8000, s13  }
0xb: {  	[tilespmem:s5], [sflag:$0x1] =	stream.linear.gather [hbm4b:s6+s5], $0x4000, $0x38;
	[tilespmem:$0xA080] =	vst v63  }
0xc: {  	s9 =	simm.s32 $0x4000;
	s7 =	sadd.s32 s7, s8;
	s8 =	simm.s32 $0x1  }
0xd: {  	[tilespmem:s9], [sflag:$0x2] =	stream.linear.gather [hbm4b:s7+s5], $0x4000, $0x38;
	[tilespmem:$0xA080] =	vst v63  }
0xe: {  	_ =	swait.ge [sflag:s8], $0x4000  }
0xf: {  	s10 =	sadd.s32 s13, s16;
	[sflag:s8] =	ssyncset.done $0x0  }
0x10: {  	s11 =	simm.s32 $0x2;
	s10 =	sadd.s32 $0x1000, s10;
	[sflag:s8] =	ssyncadd.s32 $0xFFFFC000  }
0x11: {  	[hbm4b:s10+s5] =	stream.linear.scatter [tilespmem:s5], [sflag:$0x1], $0x4000, $0x38;
	[tilespmem:$0xA080] =	vst v63  }
0x12: {  	s14 =	sadd.s32 $0x11200, s16;
	p0 =	slt.u32 s0, $0x8;
	_ =	swait.ge [sflag:s11], $0x4000  }
0x13: {  	s14 =	smov.u32 @p0 s12;
	s13 =	sand.u32 $0x7800, s13;
	[sflag:s11] =	ssyncset.done $0x0  }
0x14: {  	s12 =	sadd.s32 s14, s13;
	[sflag:s11] =	ssyncadd.s32 $0xFFFFC000  }
0x15: {  	[hbm4b:s12+s5] =	stream.linear.scatter [tilespmem:s9], [sflag:$0x2], $0x4000, $0x38;
	[tilespmem:$0xA080] =	vst v63  }
0x16: {  	p0 =	seq.s32 s17, $0x1;
	_ =	swait.ge [sflag:s11], $0x4000  }
0x17: {  	s15 =	simm.s32 @p0 $0xA000;
	[sflag:s11] =	ssyncset.done $0x0  }
0x18: {  	s13 =	simm.s32 @p0 $0x4;
	s14 =	simm.s32 @p0 $0x0;
	[sflag:s11] =	ssyncadd.s32 $0xFFFFC000  }
0x19: {  	[tilespmem:s15], [sflag:$0x4] =	stream.linear.gather @p0 [hbm4b:s2+s14], $0x80, $0x38;
	[tilespmem:$0xA080] =	vst v63  }
0x1a: {  	_ =	swait.ge @p0 [sflag:s13], $0x80  }
0x1b: {  	s20 =	ssub.s32 $0x2, s20;
	[sflag:s13] =	ssyncset.done @p0 $0x0  }
0x1c: {  	s16 =	sadd.s32 $0x11000, s16;
	p1 =	sne.s32 @!p0 s17, $0x0;
	[sflag:s13] =	ssyncadd.s32 @p0 $0xFFFFFF80  }
0x1d: {  	[hbm4b:s16+s14] =	stream.linear.scatter @p0 [tilespmem:s15], [sflag:$0x4], $0x80, $0x38;
	[tilespmem:$0xA080] =	vst v63  }
0x1e: {  	s21 =	sshrl.u32 s20, $0x1;
	p1 =	por p1, p0;
	_ =	swait.ge @p0 [sflag:s13], $0x80  }
0x1f: {  	s20 =	ssub.s32 s20, s21;
	s17 =	simm.s32 @!p1 $0x3;
	[sflag:s13] =	ssyncset.done @p0 $0x0  }
0x20: {  	s18 =	simm.s32 @!p1 $0x0;
	s19 =	simm.s32 @!p1 $0x8000;
	[sflag:s13] =	ssyncadd.s32 @p0 $0xFFFFFF80  }
0x21: {  	[tilespmem:s19], [sflag:$0x3] =	stream.linear.gather @!p1 [hbm4b:s1+s18], $0x2000, $0x38;
	[tilespmem:$0xA080] =	vst v63  }
0x22: {  	s20 =	smax.u32 s20, $0x1;
	_ =	swait.ge @!p1 [sflag:s17], $0x2000  }
0x23: {  	s20 =	sadd.s32 $0xFFFFFFFF, s20;
	[sflag:s17] =	ssyncset.done @!p1 $0x0  }
0x24: {  	p2 =	sne.s32 s20, $0x0;
	[sflag:s17] =	ssyncadd.s32 @!p1 $0xFFFFE000  }
0x25: {  	[hbm4b:s4+s18] =	stream.linear.scatter @!p1 [tilespmem:s19], [sflag:$0x3], $0x2000, $0x38;
	[tilespmem:$0xA080] =	vst v63  }
.Ltmp0:
0x26: {  	_ =	swait.ge @!p1 [sflag:s17], $0x2000;
	(pc) =	sbr.rel @!p2 .LBB2_2-.Ltmp0, $4  }
0x27: {  	[sflag:s17] =	ssyncset.done @!p1 $0x0  }
0x28: {  	[sflag:s17] =	ssyncadd.s32 @!p1 $0xFFFFE000  }
0x29: {  	_ =	swait.ge [sflag:s8], $0x4000  }
0x2a: {  	[sflag:s8] =	ssyncset.done $0x0  }
.LBB2_1:
0x2b: {  	s20 =	sadd.s32 $0xFFFFFFFF, s20;
	[sflag:s8] =	ssyncadd.s32 $0xFFFFC000  }
0x2c: {  	[tilespmem:s5], [sflag:$0x1] =	stream.linear.gather [hbm4b:s6+s5], $0x4000, $0x38;
	[tilespmem:$0xA080] =	vst v63  }
0x2d: {  	p2 =	sne.s32 s20, $0x0  }
0x2e: {  	[tilespmem:s9], [sflag:$0x2] =	stream.linear.gather [hbm4b:s7+s5], $0x4000, $0x38;
	[tilespmem:$0xA080] =	vst v63  }
0x2f: {  	_ =	swait.ge [sflag:s8], $0x4000  }
0x30: {  	[sflag:s8] =	ssyncset.done $0x0  }
0x31: {  	[sflag:s8] =	ssyncadd.s32 $0xFFFFC000  }
0x32: {  	[hbm4b:s10+s5] =	stream.linear.scatter [tilespmem:s5], [sflag:$0x1], $0x4000, $0x38;
	[tilespmem:$0xA080] =	vst v63  }
0x33: {  	_ =	swait.ge [sflag:s11], $0x4000  }
0x34: {  	[sflag:s11] =	ssyncset.done $0x0  }
0x35: {  	[sflag:s11] =	ssyncadd.s32 $0xFFFFC000  }
0x36: {  	[hbm4b:s12+s5] =	stream.linear.scatter [tilespmem:s9], [sflag:$0x2], $0x4000, $0x38;
	[tilespmem:$0xA080] =	vst v63  }
0x37: {  	_ =	swait.ge [sflag:s11], $0x4000  }
0x38: {  	[sflag:s11] =	ssyncset.done $0x0  }
0x39: {  	[sflag:s11] =	ssyncadd.s32 $0xFFFFC000  }
0x3a: {  	[tilespmem:s15], [sflag:$0x4] =	stream.linear.gather @p0 [hbm4b:s2+s14], $0x80, $0x38;
	[tilespmem:$0xA080] =	vst v63  }
0x3b: {  	_ =	swait.ge @p0 [sflag:s13], $0x80  }
0x3c: {  	[sflag:s13] =	ssyncset.done @p0 $0x0  }
0x3d: {  	[sflag:s13] =	ssyncadd.s32 @p0 $0xFFFFFF80  }
0x3e: {  	[hbm4b:s16+s14] =	stream.linear.scatter @p0 [tilespmem:s15], [sflag:$0x4], $0x80, $0x38;
	[tilespmem:$0xA080] =	vst v63  }
0x3f: {  	_ =	swait.ge @p0 [sflag:s13], $0x80  }
0x40: {  	[sflag:s13] =	ssyncset.done @p0 $0x0  }
0x41: {  	[sflag:s13] =	ssyncadd.s32 @p0 $0xFFFFFF80  }
0x42: {  	[tilespmem:s19], [sflag:$0x3] =	stream.linear.gather @!p1 [hbm4b:s1+s18], $0x2000, $0x38;
	[tilespmem:$0xA080] =	vst v63  }
0x43: {  	_ =	swait.ge @!p1 [sflag:s17], $0x2000  }
0x44: {  	[sflag:s17] =	ssyncset.done @!p1 $0x0  }
0x45: {  	[sflag:s17] =	ssyncadd.s32 @!p1 $0xFFFFE000  }
0x46: {  	[hbm4b:s4+s18] =	stream.linear.scatter @!p1 [tilespmem:s19], [sflag:$0x3], $0x2000, $0x38;
	[tilespmem:$0xA080] =	vst v63  }
.Ltmp1:
0x47: {  	_ =	swait.ge @!p1 [sflag:s17], $0x2000;
	(pc) =	sbr.rel @p2 .LBB2_1-.Ltmp1, $4  }
0x48: {  	[sflag:s17] =	ssyncset.done @!p1 $0x0  }
0x49: {  	[sflag:s17] =	ssyncadd.s32 @!p1 $0xFFFFE000  }
0x4a: {  	_ =	swait.ge [sflag:s8], $0x4000  }
0x4b: {  	[sflag:s8] =	ssyncset.done $0x0  }
.LBB2_2:
0x4c: {  	[sflag:s8] =	ssyncadd.s32 $0xFFFFC000  }
0x4d: {  	_ =	sfence.sel $0x180000  }
0x4e: {  	[bflag:$0x0] =	sbarrier.arrive $0xFFFF  }
0x4f: {  	p0 =	sne.s32 s0, $0x0;
	_ =	strace $0x90000047  }
0x50: {  	s0 =	sadd.s32 @!p0 $0x100000, s3;
	[bflag:$0x2] =	sbarrier.arrive $0xFFFF  }
0x51: {  	[sflag:s0] =	ssyncadd.tile.s32 @!p0 $0x1;
	_ =	shalt  }
.Lfunc_end2:
_tile_overlayer_lowered:
.L_overlay_start_2:
0x52: {  	(tag) =	ssettag $0x2  }
0x53: {  	s0 =	rddreg [dreg:$0x0];
	s2 =	stileid.u32  }
0x54: {  	s1 =	rddreg [dreg:$0x1];
	p0 =	sne.s32 s2, $0x0  }
0x55: {  	s3 =	rddreg [dreg:$0x2];
	[bflag:$0x3] =	sbarrier.arrive $0xFFFF;
	s2 =	simm.s32 @!p0 $0x1C05  }
0x56: {  	[timem:s3], [sflag:s2] =	dma.local @!p0 [hbm:s0], s1  }
0x57: {  	s0 =	simm.s32 @!p0 $0x5  }
0x58: {  	_ =	swait.ge @!p0 [sflag:s0], s1  }
0x59: {  	s1 =	ssub.s32 @!p0 $0x0, s1;
	[sflag:s0] =	ssyncset.done @!p0 $0x0  }
0x5a: {  	[sflag:s0] =	ssyncadd.s32 @!p0 s1  }
0x5b: {  	[bflag:$0x3] =	sbarrier.arrive $0xFFFF  }
0x5c: {  	_ =	shalt  }

</sc_bundles>
